<compile_context>
chip_gen: v7x
topology: tpu7x:2x2x1
jax: 0.10.2.dev20260603
libtpu: 0.0.44.dev20260713+nightly
codegen_flags: <defaults>
</compile_context>

<pallas_src>
import functools

import jax
import jax.numpy as jnp
from jax import lax
from jax.experimental import pallas as pl
from jax.experimental.pallas import tpu as pltpu
from jax.experimental.pallas import tpu_sc as plsc

B = 1024
INPUT_SIZE = 128
H = 128
STACK = 200

_NC = 1
_NS = 16
_NW = _NC * _NS
_BPW = B // _NW

@functools.cache
def _make_sc_gather():
    mesh = plsc.VectorSubcoreMesh(core_axis_name="c", subcore_axis_name="s", num_cores=1)

    @functools.partial(
        pl.kernel,
        out_type=jax.ShapeDtypeStruct((2, B, H), jnp.float32),
        mesh=mesh,
        scratch_types=[
            pltpu.VMEM((_BPW,), jnp.int32),
            pltpu.VMEM((_BPW,), jnp.int32),
            pltpu.VMEM((2, _BPW, H), jnp.float32),
            pltpu.SemaphoreType.DMA,
            pltpu.SemaphoreType.DMA,
        ],
    )
    def _sc_gather(htab, ctab, pos_hbm, out_hc, pos_v, idx_v, rows_v, sem_h, sem_c):
        wid = lax.axis_index("s") * _NC + lax.axis_index("c")
        base = wid * _BPW
        pltpu.sync_copy(pos_hbm.at[pl.ds(base, _BPW)], pos_v)
        for j in range(_BPW // 16):
            sl = pl.ds(j * 16, 16)
            idx_v[sl] = pos_v[sl] * B + (base + j * 16 + lax.iota(jnp.int32, 16))
        cp_h = pltpu.async_copy(htab.at[idx_v], rows_v.at[0], sem_h)
        cp_c = pltpu.async_copy(ctab.at[idx_v], rows_v.at[1], sem_c)
        cp_h.wait()
        out_h = pltpu.async_copy(rows_v.at[0], out_hc.at[0].at[pl.ds(base, _BPW)], sem_h)
        cp_c.wait()
        out_c = pltpu.async_copy(rows_v.at[1], out_hc.at[1].at[pl.ds(base, _BPW)], sem_c)
        out_h.wait()
        out_c.wait()

    return _sc_gather


_DN_T = (((1,), (1,)), ((), ()))


def _lstm_body(x_ref, hc_ref, wih_ref, whh_ref, bih_ref, bhh_ref, op_ref, oh_ref, oc_ref):
    h = hc_ref[0]
    c = hc_ref[1]
    gates = (
        lax.dot_general(x_ref[...], wih_ref[...], _DN_T, preferred_element_type=jnp.float32)
        + lax.dot_general(h, whh_ref[...], _DN_T, preferred_element_type=jnp.float32)
        + bih_ref[...]
        + bhh_ref[...]
    )
    i = jax.nn.sigmoid(gates[:, 0:H])
    f = jax.nn.sigmoid(gates[:, H : 2 * H])
    g = jnp.tanh(gates[:, 2 * H : 3 * H])
    o = jax.nn.sigmoid(gates[:, 3 * H : 4 * H])
    c_new = f * c + i * g
    h_new = o * jnp.tanh(c_new)
    push = op_ref[...] > 0
    oh_ref[...] = jnp.where(push, h_new, h)
    oc_ref[...] = jnp.where(push, c_new, c)


_lstm_call = pl.pallas_call(
    _lstm_body,
    out_shape=(
        jax.ShapeDtypeStruct((B, H), jnp.float32),
        jax.ShapeDtypeStruct((B, H), jnp.float32),
    ),
)


def kernel(input, op, pos, hidden_stack, cell_stack, W_ih, W_hh, b_ih, b_hh):
    htab = hidden_stack.reshape((STACK + 1) * B, H)
    ctab = cell_stack.reshape((STACK + 1) * B, H)
    cur_hc = _make_sc_gather()(htab, ctab, pos)
    out_h, out_c = _lstm_call(
        input,
        cur_hc,
        W_ih[0],
        W_hh[0],
        b_ih.reshape(1, 4 * H),
        b_hh.reshape(1, 4 * H),
        op.reshape(B, 1),
    )
    return out_h, out_c

# --- scband reference (transcript-rebuilt; emitter-appended) ---
"""Pipeline reference for scband-stack-lstmcell-52836687675633 (READ-ONLY COPY).

The authoritative reference and input builder live on the scoring server;
editing this copy changes nothing except your own understanding.
"""

import jax, jax.numpy as jnp
import numpy as np

B = 1024
INPUT_SIZE = 128
H = 128
L = 1
STACK = 200


def _lstm_cell(x, h, c, Wih, Whh, bih, bhh):
    gates = x @ Wih.T + h @ Whh.T + bih + bhh
    i, f, g, o = jnp.split(gates, 4, axis=-1)
    i = jax.nn.sigmoid(i)
    f = jax.nn.sigmoid(f)
    g = jnp.tanh(g)
    o = jax.nn.sigmoid(o)
    c_new = f * c + i * g
    h_new = o * jnp.tanh(c_new)
    return h_new, c_new


def setup_inputs(seed: int = 0):
    key = jax.random.key(seed)
    ks = jax.random.split(key, 10)
    init_hidden = jax.random.uniform(ks[2], (H,), dtype=jnp.float32)
    init_cell = jax.random.uniform(ks[3], (H,), dtype=jnp.float32)
    hidden_stack = jnp.zeros((STACK + 1, B, H, L), dtype=jnp.float32)
    cell_stack = jnp.zeros((STACK + 1, B, H, L), dtype=jnp.float32)
    hidden_stack = hidden_stack.at[0].set(jnp.broadcast_to(init_hidden[None, :, None], (B, H, L)))
    cell_stack = cell_stack.at[0].set(jnp.broadcast_to(init_cell[None, :, None], (B, H, L)))
    return {
        "input": jax.random.normal(ks[0], (B, INPUT_SIZE), dtype=jnp.float32),
        "op": jax.random.randint(ks[1], (B,), 0, 2, dtype=jnp.int32),
        "pos": jnp.zeros((B,), dtype=jnp.int32),
        "hidden_stack": hidden_stack,
        "cell_stack": cell_stack,
        "W_ih": jax.random.normal(ks[4], (L, 4 * H, INPUT_SIZE), dtype=jnp.float32) * 0.05,
        "W_hh": jax.random.normal(ks[5], (L, 4 * H, H), dtype=jnp.float32) * 0.05,
        "b_ih": jnp.zeros((L, 4 * H), dtype=jnp.float32),
        "b_hh": jnp.zeros((L, 4 * H), dtype=jnp.float32),
    }


def reference(input, op, pos, hidden_stack, cell_stack, W_ih, W_hh, b_ih, b_hh):
    batch_idx = jnp.arange(B)
    # gather current stack head per batch element
    cur_hidden = hidden_stack[pos, batch_idx]  # (B, H, L)
    cur_cell = cell_stack[pos, batch_idx]      # (B, H, L)
    # multi-layer LSTM cell
    x = input
    hs, cs = [], []
    for l in range(L):
        h_new, c_new = _lstm_cell(x, cur_hidden[:, :, l], cur_cell[:, :, l], W_ih[l], W_hh[l], b_ih[l], b_hh[l])
        hs.append(h_new)
        cs.append(c_new)
        x = h_new
    next_hidden = jnp.stack(hs, axis=-1)  # (B, H, L)
    next_cell = jnp.stack(cs, axis=-1)
    # scatter-overwrite new state at pos+1 for each batch element
    hidden_stack = hidden_stack.at[pos + 1, batch_idx].set(next_hidden)
    cell_stack = cell_stack.at[pos + 1, batch_idx].set(next_cell)
    # update pointer per op (push=1, hold=0)
    new_pos = pos + op
    hidden_ret = hidden_stack[new_pos, batch_idx]  # (B, H, L)
    cell_ret = cell_stack[new_pos, batch_idx]
    # last layer's hidden/cell
    return hidden_ret[:, :, -1], cell_ret[:, :, -1]

if __name__ == "__main__":
    import jax
    _d = setup_inputs()
    print(jax.jit(kernel)(*tuple(_d.values())))

</pallas_src>

<mosaic_0001>
#map = affine_map<(d0, d1) -> (0, 0)>
#map1 = affine_map<(d0, d1) -> (0)>
#map2 = affine_map<(d0, d1) -> (0, 0, 0)>
module attributes {stable_mosaic.version = 14 : i64} {
  func.func @_sc_gather(%arg0: i32, %arg1: i32, %arg2: memref<205824x128xf32, #tpu.memory_space<hbm>>, %arg3: memref<205824x128xf32, #tpu.memory_space<hbm>>, %arg4: memref<1024xi32, #tpu.memory_space<hbm>>, %arg5: memref<2x1024x128xf32, #tpu.memory_space<hbm>>, %arg6: memref<64xi32, #tpu.memory_space<vmem>>, %arg7: memref<64xi32, #tpu.memory_space<vmem>>, %arg8: memref<2x64x128xf32, #tpu.memory_space<vmem>>, %arg9: memref<!tpu.dma_semaphore, #tpu.memory_space<semaphore_mem>>, %arg10: memref<!tpu.dma_semaphore, #tpu.memory_space<semaphore_mem>>) attributes {dimension_semantics = [#tpu.dimension_semantics<core_parallel>, #tpu.dimension_semantics<subcore_parallel>], iteration_bounds = array<i64: 1, 16>, scalar_prefetch = 0 : i64, scratch_operands = 5 : i64, tpu.core_type = #tpu.core_type<sc_vector_subcore>, window_params = [{transform_indices = #map}, {transform_indices = #map}, {transform_indices = #map1}, {transform_indices = #map2}]} {
    %mul3A = arith.constant 1 : i32
    %mul3A_0 = arith.muli %arg1, %mul3A : i32
    %add3A = arith.addi %mul3A_0, %arg0 : i32
    %mul3A_1 = arith.constant 64 : i32
    %mul3A_2 = arith.muli %add3A, %mul3A_1 : i32
    "tpu.region"() ({
      %run_scoped3A = tpu.sem_alloc : memref<!tpu.dma_semaphore, #tpu.memory_space<semaphore_mem>>
      %dma_start3A_182 = tpu.memref_slice %arg4[%mul3A_2] : memref<1024xi32, #tpu.memory_space<hbm>> -> memref<64xi32, #tpu.memory_space<hbm>>
      %dma_start3A_183 = tpu.memref_slice %arg4[%mul3A_2] : memref<1024xi32, #tpu.memory_space<hbm>> -> memref<64xi32, #tpu.memory_space<hbm>>
      tpu.enqueue_dma source(%dma_start3A_183 : memref<64xi32, #tpu.memory_space<hbm>>) target(%arg6 : memref<64xi32, #tpu.memory_space<vmem>>) target_semaphore(%run_scoped3A : memref<!tpu.dma_semaphore, #tpu.memory_space<semaphore_mem>>)
      %dma_wait3A_184 = tpu.memref_slice %arg4[%mul3A_2] : memref<1024xi32, #tpu.memory_space<hbm>> -> memref<64xi32, #tpu.memory_space<hbm>>
      %dma_wait3A_185 = tpu.memref_slice %arg4[%mul3A_2] : memref<1024xi32, #tpu.memory_space<hbm>> -> memref<64xi32, #tpu.memory_space<hbm>>
      tpu.wait_dma2 semaphore(%run_scoped3A : memref<!tpu.dma_semaphore, #tpu.memory_space<semaphore_mem>>) src(%dma_wait3A_185 : memref<64xi32, #tpu.memory_space<hbm>>) dst(%arg6 : memref<64xi32, #tpu.memory_space<vmem>>)
      tpu.yield
    }) : () -> ()
    %get3A = arith.constant 0 : index
    %get3A_3 = tpu.vector_load %arg6[%get3A] {strides = array<i32>} : memref<64xi32, #tpu.memory_space<vmem>>, vector<16xi32>,
    %get3A_4 = vector.shape_cast %get3A_3 : vector<16xi32> to vector<16xi32>
    %mul3A_5 = arith.constant 1024 : i32
    %mul3A_6 = vector.broadcast %mul3A_5 : i32 to vector<16xi32>
    %mul3A_7 = arith.muli %get3A_4, %mul3A_6 : vector<16xi32>
    %add3A_8 = arith.constant 0 : i32
    %add3A_9 = arith.addi %mul3A_2, %add3A_8 : i32
    %iota3A = tpu.iota {dimensions = array<i32: 0>} : vector<16xi32>
    %add3A_10 = vector.broadcast %add3A_9 : i32 to vector<16xi32>
    %add3A_11 = arith.addi %add3A_10, %iota3A : vector<16xi32>
    %add3A_12 = arith.addi %mul3A_7, %add3A_11 : vector<16xi32>
    %swap3A = arith.constant 0 : index
    %swap3A_13 = tpu.vector_load %arg7[%swap3A] {strides = array<i32>} : memref<64xi32, #tpu.memory_space<vmem>>, vector<16xi32>,
    %swap3A_14 = vector.shape_cast %swap3A_13 : vector<16xi32> to vector<16xi32>
    %swap3A_15 = vector.shape_cast %add3A_12 : vector<16xi32> to vector<16xi32>
    tpu.vector_store %arg7[%swap3A], %swap3A_15 {strides = array<i32>} : memref<64xi32, #tpu.memory_space<vmem>>, vector<16xi32>,
    %get3A_16 = arith.constant 16 : index
    %get3A_17 = tpu.vector_load %arg6[%get3A_16] {strides = array<i32>} : memref<64xi32, #tpu.memory_space<vmem>>, vector<16xi32>,
    %get3A_18 = vector.shape_cast %get3A_17 : vector<16xi32> to vector<16xi32>
    %mul3A_19 = arith.constant 1024 : i32
    %mul3A_20 = vector.broadcast %mul3A_19 : i32 to vector<16xi32>
    %mul3A_21 = arith.muli %get3A_18, %mul3A_20 : vector<16xi32>
    %add3A_22 = arith.constant 16 : i32
    %add3A_23 = arith.addi %mul3A_2, %add3A_22 : i32
    %iota3A_24 = tpu.iota {dimensions = array<i32: 0>} : vector<16xi32>
    %add3A_25 = vector.broadcast %add3A_23 : i32 to vector<16xi32>
    %add3A_26 = arith.addi %add3A_25, %iota3A_24 : vector<16xi32>
    %add3A_27 = arith.addi %mul3A_21, %add3A_26 : vector<16xi32>
    %swap3A_28 = arith.constant 16 : index
    %swap3A_29 = tpu.vector_load %arg7[%swap3A_28] {strides = array<i32>} : memref<64xi32, #tpu.memory_space<vmem>>, vector<16xi32>,
    %swap3A_30 = vector.shape_cast %swap3A_29 : vector<16xi32> to vector<16xi32>
    %swap3A_31 = vector.shape_cast %add3A_27 : vector<16xi32> to vector<16xi32>
    tpu.vector_store %arg7[%swap3A_28], %swap3A_31 {strides = array<i32>} : memref<64xi32, #tpu.memory_space<vmem>>, vector<16xi32>,
    %get3A_32 = arith.constant 32 : index
    %get3A_33 = tpu.vector_load %arg6[%get3A_32] {strides = array<i32>} : memref<64xi32, #tpu.memory_space<vmem>>, vector<16xi32>,
    %get3A_34 = vector.shape_cast %get3A_33 : vector<16xi32> to vector<16xi32>
    %mul3A_35 = arith.constant 1024 : i32
    %mul3A_36 = vector.broadcast %mul3A_35 : i32 to vector<16xi32>
    %mul3A_37 = arith.muli %get3A_34, %mul3A_36 : vector<16xi32>
    %add3A_38 = arith.constant 32 : i32
    %add3A_39 = arith.addi %mul3A_2, %add3A_38 : i32
    %iota3A_40 = tpu.iota {dimensions = array<i32: 0>} : vector<16xi32>
    %add3A_41 = vector.broadcast %add3A_39 : i32 to vector<16xi32>
    %add3A_42 = arith.addi %add3A_41, %iota3A_40 : vector<16xi32>
    %add3A_43 = arith.addi %mul3A_37, %add3A_42 : vector<16xi32>
    %swap3A_44 = arith.constant 32 : index
    %swap3A_45 = tpu.vector_load %arg7[%swap3A_44] {strides = array<i32>} : memref<64xi32, #tpu.memory_space<vmem>>, vector<16xi32>,
    %swap3A_46 = vector.shape_cast %swap3A_45 : vector<16xi32> to vector<16xi32>
    %swap3A_47 = vector.shape_cast %add3A_43 : vector<16xi32> to vector<16xi32>
    tpu.vector_store %arg7[%swap3A_44], %swap3A_47 {strides = array<i32>} : memref<64xi32, #tpu.memory_space<vmem>>, vector<16xi32>,
    %get3A_48 = arith.constant 48 : index
    %get3A_49 = tpu.vector_load %arg6[%get3A_48] {strides = array<i32>} : memref<64xi32, #tpu.memory_space<vmem>>, vector<16xi32>,
    %get3A_50 = vector.shape_cast %get3A_49 : vector<16xi32> to vector<16xi32>
    %mul3A_51 = arith.constant 1024 : i32
    %mul3A_52 = vector.broadcast %mul3A_51 : i32 to vector<16xi32>
    %mul3A_53 = arith.muli %get3A_50, %mul3A_52 : vector<16xi32>
    %add3A_54 = arith.constant 48 : i32
    %add3A_55 = arith.addi %mul3A_2, %add3A_54 : i32
    %iota3A_56 = tpu.iota {dimensions = array<i32: 0>} : vector<16xi32>
    %add3A_57 = vector.broadcast %add3A_55 : i32 to vector<16xi32>
    %add3A_58 = arith.addi %add3A_57, %iota3A_56 : vector<16xi32>
    %add3A_59 = arith.addi %mul3A_53, %add3A_58 : vector<16xi32>
    %swap3A_60 = arith.constant 48 : index
    %swap3A_61 = tpu.vector_load %arg7[%swap3A_60] {strides = array<i32>} : memref<64xi32, #tpu.memory_space<vmem>>, vector<16xi32>,
    %swap3A_62 = vector.shape_cast %swap3A_61 : vector<16xi32> to vector<16xi32>
    %swap3A_63 = vector.shape_cast %add3A_59 : vector<16xi32> to vector<16xi32>
    tpu.vector_store %arg7[%swap3A_60], %swap3A_63 {strides = array<i32>} : memref<64xi32, #tpu.memory_space<vmem>>, vector<16xi32>,
    %dma_start3A = arith.constant 0 : i32
    %dma_start3A_64 = arith.constant 0 : i32
    %dma_start3A_65 = arith.constant 0 : i32
    %dma_start3A_66 = tpu.memref_slice %arg8[%dma_start3A, %dma_start3A_64, %dma_start3A_65] : memref<2x64x128xf32, #tpu.memory_space<vmem>> -> memref<1x64x128xf32, #tpu.memory_space<vmem>>
    %dma_start3A_67 = tpu.memref_squeeze %dma_start3A_66 : memref<1x64x128xf32, #tpu.memory_space<vmem>> -> memref<64x128xf32, #tpu.memory_space<vmem>>
    %dma_start3A_68 = arith.constant 0 : i32
    %dma_start3A_69 = arith.constant 0 : i32
    %dma_start3A_70 = tpu.memref_slice %arg2[%dma_start3A_68, %dma_start3A_69] : memref<205824x128xf32, #tpu.memory_space<hbm>> -> memref<205824x128xf32, #tpu.memory_space<hbm>>
    tpu.enqueue_indirect_dma source(%dma_start3A_70 : memref<205824x128xf32, #tpu.memory_space<hbm>>) target(%dma_start3A_67 : memref<64x128xf32, #tpu.memory_space<vmem>>) offsets(%arg7 : memref<64xi32, #tpu.memory_space<vmem>>) semaphore(%arg9 : memref<!tpu.dma_semaphore, #tpu.memory_space<semaphore_mem>>)
    %dma_start3A_71 = arith.constant 1 : i32
    %dma_start3A_72 = arith.constant 0 : i32
    %dma_start3A_73 = arith.constant 0 : i32
    %dma_start3A_74 = tpu.memref_slice %arg8[%dma_start3A_71, %dma_start3A_72, %dma_start3A_73] : memref<2x64x128xf32, #tpu.memory_space<vmem>> -> memref<1x64x128xf32, #tpu.memory_space<vmem>>
    %dma_start3A_75 = tpu.memref_squeeze %dma_start3A_74 : memref<1x64x128xf32, #tpu.memory_space<vmem>> -> memref<64x128xf32, #tpu.memory_space<vmem>>
    %dma_start3A_76 = arith.constant 0 : i32
    %dma_start3A_77 = arith.constant 0 : i32
    %dma_start3A_78 = tpu.memref_slice %arg3[%dma_start3A_76, %dma_start3A_77] : memref<205824x128xf32, #tpu.memory_space<hbm>> -> memref<205824x128xf32, #tpu.memory_space<hbm>>
    tpu.enqueue_indirect_dma source(%dma_start3A_78 : memref<205824x128xf32, #tpu.memory_space<hbm>>) target(%dma_start3A_75 : memref<64x128xf32, #tpu.memory_space<vmem>>) offsets(%arg7 : memref<64xi32, #tpu.memory_space<vmem>>) semaphore(%arg10 : memref<!tpu.dma_semaphore, #tpu.memory_space<semaphore_mem>>)
    %dma_wait3A = arith.constant 0 : i32
    %dma_wait3A_79 = arith.constant 0 : i32
    %dma_wait3A_80 = arith.constant 0 : i32
    %dma_wait3A_81 = tpu.memref_slice %arg8[%dma_wait3A, %dma_wait3A_79, %dma_wait3A_80] : memref<2x64x128xf32, #tpu.memory_space<vmem>> -> memref<1x64x128xf32, #tpu.memory_space<vmem>>
    %dma_wait3A_82 = tpu.memref_squeeze %dma_wait3A_81 : memref<1x64x128xf32, #tpu.memory_space<vmem>> -> memref<64x128xf32, #tpu.memory_space<vmem>>
    %dma_wait3A_83 = arith.constant 0 : i32
    %dma_wait3A_84 = arith.constant 0 : i32
    %dma_wait3A_85 = tpu.memref_slice %arg2[%dma_wait3A_83, %dma_wait3A_84] : memref<205824x128xf32, #tpu.memory_space<hbm>> -> memref<205824x128xf32, #tpu.memory_space<hbm>>
    tpu.wait_indirect_dma semaphore(%arg9 : memref<!tpu.dma_semaphore, #tpu.memory_space<semaphore_mem>>) src(%dma_wait3A_85 : memref<205824x128xf32, #tpu.memory_space<hbm>>) dst(%dma_wait3A_82 : memref<64x128xf32, #tpu.memory_space<vmem>>)
    %dma_start3A_86 = arith.constant 0 : i32
    %dma_start3A_87 = arith.constant 0 : i32
    %dma_start3A_88 = arith.constant 0 : i32
    %dma_start3A_89 = arith.constant 0 : i32
    %dma_start3A_90 = tpu.memref_slice %arg8[%dma_start3A_86, %dma_start3A_88, %dma_start3A_89] : memref<2x64x128xf32, #tpu.memory_space<vmem>> -> memref<1x64x128xf32, #tpu.memory_space<vmem>>
    %dma_start3A_91 = tpu.memref_squeeze %dma_start3A_90 : memref<1x64x128xf32, #tpu.memory_space<vmem>> -> memref<64x128xf32, #tpu.memory_space<vmem>>
    %dma_start3A_92 = arith.constant 0 : i32
    %dma_start3A_93 = arith.constant 0 : i32
    %dma_start3A_94 = tpu.memref_slice %arg5[%dma_start3A_87, %dma_start3A_92, %dma_start3A_93] : memref<2x1024x128xf32, #tpu.memory_space<hbm>> -> memref<1x1024x128xf32, #tpu.memory_space<hbm>>
    %dma_start3A_95 = tpu.memref_squeeze %dma_start3A_94 : memref<1x1024x128xf32, #tpu.memory_space<hbm>> -> memref<1024x128xf32, #tpu.memory_space<hbm>>
    %dma_start3A_96 = arith.constant 0 : i32
    %dma_start3A_97 = tpu.memref_slice %dma_start3A_95[%mul3A_2, %dma_start3A_96] : memref<1024x128xf32, #tpu.memory_space<hbm>> -> memref<64x128xf32, #tpu.memory_space<hbm>>
    %dma_start3A_98 = arith.constant 0 : i32
    %dma_start3A_99 = arith.constant 0 : i32
    %dma_start3A_100 = tpu.memref_slice %arg5[%dma_start3A_87, %dma_start3A_98, %dma_start3A_99] : memref<2x1024x128xf32, #tpu.memory_space<hbm>> -> memref<1x1024x128xf32, #tpu.memory_space<hbm>>
    %dma_start3A_101 = tpu.memref_squeeze %dma_start3A_100 : memref<1x1024x128xf32, #tpu.memory_space<hbm>> -> memref<1024x128xf32, #tpu.memory_space<hbm>>
    %dma_start3A_102 = arith.constant 0 : i32
    %dma_start3A_103 = tpu.memref_slice %dma_start3A_101[%mul3A_2, %dma_start3A_102] : memref<1024x128xf32, #tpu.memory_space<hbm>> -> memref<64x128xf32, #tpu.memory_space<hbm>>
    %dma_start3A_104 = arith.constant 0 : i32
    %dma_start3A_105 = arith.constant 0 : i32
    %dma_start3A_106 = tpu.memref_slice %arg8[%dma_start3A_86, %dma_start3A_104, %dma_start3A_105] : memref<2x64x128xf32, #tpu.memory_space<vmem>> -> memref<1x64x128xf32, #tpu.memory_space<vmem>>
    %dma_start3A_107 = tpu.memref_squeeze %dma_start3A_106 : memref<1x64x128xf32, #tpu.memory_space<vmem>> -> memref<64x128xf32, #tpu.memory_space<vmem>>
    tpu.enqueue_dma source(%dma_start3A_107 : memref<64x128xf32, #tpu.memory_space<vmem>>) target(%dma_start3A_103 : memref<64x128xf32, #tpu.memory_space<hbm>>) target_semaphore(%arg9 : memref<!tpu.dma_semaphore, #tpu.memory_space<semaphore_mem>>)
    %dma_wait3A_108 = arith.constant 1 : i32
    %dma_wait3A_109 = arith.constant 0 : i32
    %dma_wait3A_110 = arith.constant 0 : i32
    %dma_wait3A_111 = tpu.memref_slice %arg8[%dma_wait3A_108, %dma_wait3A_109, %dma_wait3A_110] : memref<2x64x128xf32, #tpu.memory_space<vmem>> -> memref<1x64x128xf32, #tpu.memory_space<vmem>>
    %dma_wait3A_112 = tpu.memref_squeeze %dma_wait3A_111 : memref<1x64x128xf32, #tpu.memory_space<vmem>> -> memref<64x128xf32, #tpu.memory_space<vmem>>
    %dma_wait3A_113 = arith.constant 0 : i32
    %dma_wait3A_114 = arith.constant 0 : i32
    %dma_wait3A_115 = tpu.memref_slice %arg3[%dma_wait3A_113, %dma_wait3A_114] : memref<205824x128xf32, #tpu.memory_space<hbm>> -> memref<205824x128xf32, #tpu.memory_space<hbm>>
    tpu.wait_indirect_dma semaphore(%arg10 : memref<!tpu.dma_semaphore, #tpu.memory_space<semaphore_mem>>) src(%dma_wait3A_115 : memref<205824x128xf32, #tpu.memory_space<hbm>>) dst(%dma_wait3A_112 : memref<64x128xf32, #tpu.memory_space<vmem>>)
    %dma_start3A_116 = arith.constant 1 : i32
    %dma_start3A_117 = arith.constant 1 : i32
    %dma_start3A_118 = arith.constant 0 : i32
    %dma_start3A_119 = arith.constant 0 : i32
    %dma_start3A_120 = tpu.memref_slice %arg8[%dma_start3A_116, %dma_start3A_118, %dma_start3A_119] : memref<2x64x128xf32, #tpu.memory_space<vmem>> -> memref<1x64x128xf32, #tpu.memory_space<vmem>>
    %dma_start3A_121 = tpu.memref_squeeze %dma_start3A_120 : memref<1x64x128xf32, #tpu.memory_space<vmem>> -> memref<64x128xf32, #tpu.memory_space<vmem>>
    %dma_start3A_122 = arith.constant 0 : i32
    %dma_start3A_123 = arith.constant 0 : i32
    %dma_start3A_124 = tpu.memref_slice %arg5[%dma_start3A_117, %dma_start3A_122, %dma_start3A_123] : memref<2x1024x128xf32, #tpu.memory_space<hbm>> -> memref<1x1024x128xf32, #tpu.memory_space<hbm>>
    %dma_start3A_125 = tpu.memref_squeeze %dma_start3A_124 : memref<1x1024x128xf32, #tpu.memory_space<hbm>> -> memref<1024x128xf32, #tpu.memory_space<hbm>>
    %dma_start3A_126 = arith.constant 0 : i32
    %dma_start3A_127 = tpu.memref_slice %dma_start3A_125[%mul3A_2, %dma_start3A_126] : memref<1024x128xf32, #tpu.memory_space<hbm>> -> memref<64x128xf32, #tpu.memory_space<hbm>>
    %dma_start3A_128 = arith.constant 0 : i32
    %dma_start3A_129 = arith.constant 0 : i32
    %dma_start3A_130 = tpu.memref_slice %arg5[%dma_start3A_117, %dma_start3A_128, %dma_start3A_129] : memref<2x1024x128xf32, #tpu.memory_space<hbm>> -> memref<1x1024x128xf32, #tpu.memory_space<hbm>>
    %dma_start3A_131 = tpu.memref_squeeze %dma_start3A_130 : memref<1x1024x128xf32, #tpu.memory_space<hbm>> -> memref<1024x128xf32, #tpu.memory_space<hbm>>
    %dma_start3A_132 = arith.constant 0 : i32
    %dma_start3A_133 = tpu.memref_slice %dma_start3A_131[%mul3A_2, %dma_start3A_132] : memref<1024x128xf32, #tpu.memory_space<hbm>> -> memref<64x128xf32, #tpu.memory_space<hbm>>
    %dma_start3A_134 = arith.constant 0 : i32
    %dma_start3A_135 = arith.constant 0 : i32
    %dma_start3A_136 = tpu.memref_slice %arg8[%dma_start3A_116, %dma_start3A_134, %dma_start3A_135] : memref<2x64x128xf32, #tpu.memory_space<vmem>> -> memref<1x64x128xf32, #tpu.memory_space<vmem>>
    %dma_start3A_137 = tpu.memref_squeeze %dma_start3A_136 : memref<1x64x128xf32, #tpu.memory_space<vmem>> -> memref<64x128xf32, #tpu.memory_space<vmem>>
    tpu.enqueue_dma source(%dma_start3A_137 : memref<64x128xf32, #tpu.memory_space<vmem>>) target(%dma_start3A_133 : memref<64x128xf32, #tpu.memory_space<hbm>>) target_semaphore(%arg10 : memref<!tpu.dma_semaphore, #tpu.memory_space<semaphore_mem>>)
    %dma_wait3A_138 = arith.constant 0 : i32
    %dma_wait3A_139 = arith.constant 0 : i32
    %dma_wait3A_140 = arith.constant 0 : i32
    %dma_wait3A_141 = arith.constant 0 : i32
    %dma_wait3A_142 = tpu.memref_slice %arg8[%dma_wait3A_138, %dma_wait3A_140, %dma_wait3A_141] : memref<2x64x128xf32, #tpu.memory_space<vmem>> -> memref<1x64x128xf32, #tpu.memory_space<vmem>>
    %dma_wait3A_143 = tpu.memref_squeeze %dma_wait3A_142 : memref<1x64x128xf32, #tpu.memory_space<vmem>> -> memref<64x128xf32, #tpu.memory_space<vmem>>
    %dma_wait3A_144 = arith.constant 0 : i32
    %dma_wait3A_145 = arith.constant 0 : i32
    %dma_wait3A_146 = tpu.memref_slice %arg5[%dma_wait3A_139, %dma_wait3A_144, %dma_wait3A_145] : memref<2x1024x128xf32, #tpu.memory_space<hbm>> -> memref<1x1024x128xf32, #tpu.memory_space<hbm>>
    %dma_wait3A_147 = tpu.memref_squeeze %dma_wait3A_146 : memref<1x1024x128xf32, #tpu.memory_space<hbm>> -> memref<1024x128xf32, #tpu.memory_space<hbm>>
    %dma_wait3A_148 = arith.constant 0 : i32
    %dma_wait3A_149 = tpu.memref_slice %dma_wait3A_147[%mul3A_2, %dma_wait3A_148] : memref<1024x128xf32, #tpu.memory_space<hbm>> -> memref<64x128xf32, #tpu.memory_space<hbm>>
    %dma_wait3A_150 = arith.constant 0 : i32
    %dma_wait3A_151 = arith.constant 0 : i32
    %dma_wait3A_152 = tpu.memref_slice %arg5[%dma_wait3A_139, %dma_wait3A_150, %dma_wait3A_151] : memref<2x1024x128xf32, #tpu.memory_space<hbm>> -> memref<1x1024x128xf32, #tpu.memory_space<hbm>>
    %dma_wait3A_153 = tpu.memref_squeeze %dma_wait3A_152 : memref<1x1024x128xf32, #tpu.memory_space<hbm>> -> memref<1024x128xf32, #tpu.memory_space<hbm>>
    %dma_wait3A_154 = arith.constant 0 : i32
    %dma_wait3A_155 = tpu.memref_slice %dma_wait3A_153[%mul3A_2, %dma_wait3A_154] : memref<1024x128xf32, #tpu.memory_space<hbm>> -> memref<64x128xf32, #tpu.memory_space<hbm>>
    %dma_wait3A_156 = arith.constant 0 : i32
    %dma_wait3A_157 = arith.constant 0 : i32
    %dma_wait3A_158 = tpu.memref_slice %arg8[%dma_wait3A_138, %dma_wait3A_156, %dma_wait3A_157] : memref<2x64x128xf32, #tpu.memory_space<vmem>> -> memref<1x64x128xf32, #tpu.memory_space<vmem>>
    %dma_wait3A_159 = tpu.memref_squeeze %dma_wait3A_158 : memref<1x64x128xf32, #tpu.memory_space<vmem>> -> memref<64x128xf32, #tpu.memory_space<vmem>>
    tpu.wait_dma2 semaphore(%arg9 : memref<!tpu.dma_semaphore, #tpu.memory_space<semaphore_mem>>) src(%dma_wait3A_159 : memref<64x128xf32, #tpu.memory_space<vmem>>) dst(%dma_wait3A_155 : memref<64x128xf32, #tpu.memory_space<hbm>>)
    %dma_wait3A_160 = arith.constant 1 : i32
    %dma_wait3A_161 = arith.constant 1 : i32
    %dma_wait3A_162 = arith.constant 0 : i32
    %dma_wait3A_163 = arith.constant 0 : i32
    %dma_wait3A_164 = tpu.memref_slice %arg8[%dma_wait3A_160, %dma_wait3A_162, %dma_wait3A_163] : memref<2x64x128xf32, #tpu.memory_space<vmem>> -> memref<1x64x128xf32, #tpu.memory_space<vmem>>
    %dma_wait3A_165 = tpu.memref_squeeze %dma_wait3A_164 : memref<1x64x128xf32, #tpu.memory_space<vmem>> -> memref<64x128xf32, #tpu.memory_space<vmem>>
    %dma_wait3A_166 = arith.constant 0 : i32
    %dma_wait3A_167 = arith.constant 0 : i32
    %dma_wait3A_168 = tpu.memref_slice %arg5[%dma_wait3A_161, %dma_wait3A_166, %dma_wait3A_167] : memref<2x1024x128xf32, #tpu.memory_space<hbm>> -> memref<1x1024x128xf32, #tpu.memory_space<hbm>>
    %dma_wait3A_169 = tpu.memref_squeeze %dma_wait3A_168 : memref<1x1024x128xf32, #tpu.memory_space<hbm>> -> memref<1024x128xf32, #tpu.memory_space<hbm>>
    %dma_wait3A_170 = arith.constant 0 : i32
    %dma_wait3A_171 = tpu.memref_slice %dma_wait3A_169[%mul3A_2, %dma_wait3A_170] : memref<1024x128xf32, #tpu.memory_space<hbm>> -> memref<64x128xf32, #tpu.memory_space<hbm>>
    %dma_wait3A_172 = arith.constant 0 : i32
    %dma_wait3A_173 = arith.constant 0 : i32
    %dma_wait3A_174 = tpu.memref_slice %arg5[%dma_wait3A_161, %dma_wait3A_172, %dma_wait3A_173] : memref<2x1024x128xf32, #tpu.memory_space<hbm>> -> memref<1x1024x128xf32, #tpu.memory_space<hbm>>
    %dma_wait3A_175 = tpu.memref_squeeze %dma_wait3A_174 : memref<1x1024x128xf32, #tpu.memory_space<hbm>> -> memref<1024x128xf32, #tpu.memory_space<hbm>>
    %dma_wait3A_176 = arith.constant 0 : i32
    %dma_wait3A_177 = tpu.memref_slice %dma_wait3A_175[%mul3A_2, %dma_wait3A_176] : memref<1024x128xf32, #tpu.memory_space<hbm>> -> memref<64x128xf32, #tpu.memory_space<hbm>>
    %dma_wait3A_178 = arith.constant 0 : i32
    %dma_wait3A_179 = arith.constant 0 : i32
    %dma_wait3A_180 = tpu.memref_slice %arg8[%dma_wait3A_160, %dma_wait3A_178, %dma_wait3A_179] : memref<2x64x128xf32, #tpu.memory_space<vmem>> -> memref<1x64x128xf32, #tpu.memory_space<vmem>>
    %dma_wait3A_181 = tpu.memref_squeeze %dma_wait3A_180 : memref<1x64x128xf32, #tpu.memory_space<vmem>> -> memref<64x128xf32, #tpu.memory_space<vmem>>
    tpu.wait_dma2 semaphore(%arg10 : memref<!tpu.dma_semaphore, #tpu.memory_space<semaphore_mem>>) src(%dma_wait3A_181 : memref<64x128xf32, #tpu.memory_space<vmem>>) dst(%dma_wait3A_177 : memref<64x128xf32, #tpu.memory_space<hbm>>)
    return
  }
}

module attributes {stable_mosaic.version = 14 : i64} {
  func.func @_lstm_body(%arg0: memref<1024x128xf32, #tpu.memory_space<vmem>>, %arg1: memref<2x1024x128xf32, #tpu.memory_space<vmem>>, %arg2: memref<512x128xf32, #tpu.memory_space<vmem>>, %arg3: memref<512x128xf32, #tpu.memory_space<vmem>>, %arg4: memref<1x512xf32, #tpu.memory_space<vmem>>, %arg5: memref<1x512xf32, #tpu.memory_space<vmem>>, %arg6: memref<1024x1xi32, #tpu.memory_space<vmem>>, %arg7: memref<1024x128xf32, #tpu.memory_space<vmem>>, %arg8: memref<1024x128xf32, #tpu.memory_space<vmem>>) attributes {dimension_semantics = [], scalar_prefetch = 0 : i64, scratch_operands = 0 : i64, tpu.core_type = #tpu.core_type<tc>} {
    %get3A = arith.constant 0 : index
    %get3A_0 = arith.constant 0 : index
    %get3A_1 = arith.constant 0 : index
    %get3A_2 = vector.load %arg1[%get3A, %get3A_0, %get3A_1] : memref<2x1024x128xf32, #tpu.memory_space<vmem>>, vector<1x1024x128xf32>
    %get3A_3 = vector.shape_cast %get3A_2 : vector<1x1024x128xf32> to vector<1024x128xf32>
    %get3A_4 = arith.constant 1 : index
    %get3A_5 = arith.constant 0 : index
    %get3A_6 = arith.constant 0 : index
    %get3A_7 = vector.load %arg1[%get3A_4, %get3A_5, %get3A_6] : memref<2x1024x128xf32, #tpu.memory_space<vmem>>, vector<1x1024x128xf32>
    %get3A_8 = vector.shape_cast %get3A_7 : vector<1x1024x128xf32> to vector<1024x128xf32>
    %get3A_9 = arith.constant 0 : index
    %get3A_10 = arith.constant 0 : index
    %get3A_11 = vector.load %arg0[%get3A_9, %get3A_10] : memref<1024x128xf32, #tpu.memory_space<vmem>>, vector<1024x128xf32>
    %get3A_12 = arith.constant 0 : index
    %get3A_13 = arith.constant 0 : index
    %get3A_14 = vector.load %arg2[%get3A_12, %get3A_13] : memref<512x128xf32, #tpu.memory_space<vmem>>, vector<512x128xf32>
    %dot_general3A = arith.constant dense<0.000000e+00> : vector<1024x512xf32>
    %dot_general3A_15 = tpu.matmul %get3A_11, %get3A_14, %dot_general3A {dimension_numbers = #tpu.dot_dimension_numbers<[1], [1], [0], [0], [0, 0, 1, 0], [], []>, transpose_lhs_hint = false} : vector<1024x128xf32>, vector<512x128xf32>, vector<1024x512xf32> -> vector<1024x512xf32>
    %get3A_16 = arith.constant 0 : index
    %get3A_17 = arith.constant 0 : index
    %get3A_18 = vector.load %arg3[%get3A_16, %get3A_17] : memref<512x128xf32, #tpu.memory_space<vmem>>, vector<512x128xf32>
    %dot_general3A_19 = arith.constant dense<0.000000e+00> : vector<1024x512xf32>
    %dot_general3A_20 = tpu.matmul %get3A_3, %get3A_18, %dot_general3A_19 {dimension_numbers = #tpu.dot_dimension_numbers<[1], [1], [0], [0], [0, 0, 1, 0], [], []>, transpose_lhs_hint = false} : vector<1024x128xf32>, vector<512x128xf32>, vector<1024x512xf32> -> vector<1024x512xf32>
    %add3A = arith.addf %dot_general3A_15, %dot_general3A_20 : vector<1024x512xf32>
    %get3A_21 = arith.constant 0 : index
    %get3A_22 = arith.constant 0 : index
    %get3A_23 = vector.load %arg4[%get3A_21, %get3A_22] : memref<1x512xf32, #tpu.memory_space<vmem>>, vector<1x512xf32>
    %add3A_24 = vector.broadcast %get3A_23 : vector<1x512xf32> to vector<1024x512xf32>
    %add3A_25 = arith.addf %add3A, %add3A_24 : vector<1024x512xf32>
    %get3A_26 = arith.constant 0 : index
    %get3A_27 = arith.constant 0 : index
    %get3A_28 = vector.load %arg5[%get3A_26, %get3A_27] : memref<1x512xf32, #tpu.memory_space<vmem>>, vector<1x512xf32>
    %add3A_29 = vector.broadcast %get3A_28 : vector<1x512xf32> to vector<1024x512xf32>
    %add3A_30 = arith.addf %add3A_25, %add3A_29 : vector<1024x512xf32>
    %slice3A = vector.extract_strided_slice %add3A_30 {offsets = [0, 0], sizes = [1024, 128], strides = [1, 1]} : vector<1024x512xf32> to vector<1024x128xf32>
    %logistic3A = arith.negf %slice3A : vector<1024x128xf32>
    %logistic3A_31 = math.exp %logistic3A : vector<1024x128xf32>
    %logistic3A_32 = arith.constant 1.000000e+00 : f32
    %logistic3A_33 = vector.broadcast %logistic3A_32 : f32 to vector<1024x128xf32>
    %logistic3A_34 = arith.addf %logistic3A_33, %logistic3A_31 : vector<1024x128xf32>
    %logistic3A_35 = arith.divf %logistic3A_33, %logistic3A_34 : vector<1024x128xf32>
    %slice3A_36 = vector.extract_strided_slice %add3A_30 {offsets = [0, 128], sizes = [1024, 128], strides = [1, 1]} : vector<1024x512xf32> to vector<1024x128xf32>
    %logistic3A_37 = arith.negf %slice3A_36 : vector<1024x128xf32>
    %logistic3A_38 = math.exp %logistic3A_37 : vector<1024x128xf32>
    %logistic3A_39 = arith.constant 1.000000e+00 : f32
    %logistic3A_40 = vector.broadcast %logistic3A_39 : f32 to vector<1024x128xf32>
    %logistic3A_41 = arith.addf %logistic3A_40, %logistic3A_38 : vector<1024x128xf32>
    %logistic3A_42 = arith.divf %logistic3A_40, %logistic3A_41 : vector<1024x128xf32>
    %slice3A_43 = vector.extract_strided_slice %add3A_30 {offsets = [0, 256], sizes = [1024, 128], strides = [1, 1]} : vector<1024x512xf32> to vector<1024x128xf32>
    %tanh3A = math.tanh %slice3A_43 : vector<1024x128xf32>
    %slice3A_44 = vector.extract_strided_slice %add3A_30 {offsets = [0, 384], sizes = [1024, 128], strides = [1, 1]} : vector<1024x512xf32> to vector<1024x128xf32>
    %logistic3A_45 = arith.negf %slice3A_44 : vector<1024x128xf32>
    %logistic3A_46 = math.exp %logistic3A_45 : vector<1024x128xf32>
    %logistic3A_47 = arith.constant 1.000000e+00 : f32
    %logistic3A_48 = vector.broadcast %logistic3A_47 : f32 to vector<1024x128xf32>
    %logistic3A_49 = arith.addf %logistic3A_48, %logistic3A_46 : vector<1024x128xf32>
    %logistic3A_50 = arith.divf %logistic3A_48, %logistic3A_49 : vector<1024x128xf32>
    %mul3A = arith.mulf %logistic3A_42, %get3A_8 : vector<1024x128xf32>
    %mul3A_51 = arith.mulf %logistic3A_35, %tanh3A : vector<1024x128xf32>
    %add3A_52 = arith.addf %mul3A, %mul3A_51 : vector<1024x128xf32>
    %tanh3A_53 = math.tanh %add3A_52 : vector<1024x128xf32>
    %mul3A_54 = arith.mulf %logistic3A_50, %tanh3A_53 : vector<1024x128xf32>
    %get3A_55 = arith.constant 0 : index
    %get3A_56 = arith.constant 0 : index
    %get3A_57 = vector.load %arg6[%get3A_55, %get3A_56] : memref<1024x1xi32, #tpu.memory_space<vmem>>, vector<1024x1xi32>
    %gt3A = arith.constant 0 : i32
    %gt3A_58 = vector.broadcast %gt3A : i32 to vector<1024x1xi32>
    %gt3A_59 = arith.cmpi sgt, %get3A_57, %gt3A_58 : vector<1024x1xi32>
    %broadcast_in_dim3A = vector.shape_cast %gt3A_59 : vector<1024x1xi1> to vector<1024x1xi1>
    %broadcast_in_dim3A_60 = vector.broadcast %broadcast_in_dim3A : vector<1024x1xi1> to vector<1024x128xi1>
    %select_n3A = arith.select %broadcast_in_dim3A_60, %mul3A_54, %get3A_3 : vector<1024x128xi1>, vector<1024x128xf32>
    %swap3A = arith.constant 0 : index
    %swap3A_61 = arith.constant 0 : index
    %swap3A_62 = vector.load %arg7[%swap3A, %swap3A_61] : memref<1024x128xf32, #tpu.memory_space<vmem>>, vector<1024x128xf32>
    tpu.vector_store %arg7[%swap3A, %swap3A_61], %select_n3A {strides = array<i32>} : memref<1024x128xf32, #tpu.memory_space<vmem>>, vector<1024x128xf32>,
    %broadcast_in_dim3A_63 = vector.shape_cast %gt3A_59 : vector<1024x1xi1> to vector<1024x1xi1>
    %broadcast_in_dim3A_64 = vector.broadcast %broadcast_in_dim3A_63 : vector<1024x1xi1> to vector<1024x128xi1>
    %select_n3A_65 = arith.select %broadcast_in_dim3A_64, %add3A_52, %get3A_8 : vector<1024x128xi1>, vector<1024x128xf32>
    %swap3A_66 = arith.constant 0 : index
    %swap3A_67 = arith.constant 0 : index
    %swap3A_68 = vector.load %arg8[%swap3A_66, %swap3A_67] : memref<1024x128xf32, #tpu.memory_space<vmem>>, vector<1024x128xf32>
    tpu.vector_store %arg8[%swap3A_66, %swap3A_67], %select_n3A_65 {strides = array<i32>} : memref<1024x128xf32, #tpu.memory_space<vmem>>, vector<1024x128xf32>,
    return
  }
}

</mosaic_0001>

<sc_bundles>
// kernel: kernel.4.cloned.1.call-start
scs
__scs_entry_jumppad:
0x0: {  	(pc) =	sbr.rel $0x88, $3  }
0x1: {  	(tag) =	ssettag $0x0;
	lr =	simm.s32 $0x1  }
0x2: {  	[smem:$0x3F98] =	sst lr;
	_ =	strace $0xD0000000  }
0x3: {  	_ = 	snop  }
0x4: {  	_ = 	snop  }
0x5: {  	_ = 	snop  }
0x6: {  	_ = 	snop  }
0x7: {  	_ = 	snop  }
__scs_overlays_trampoline_lowered:
0x8: {  	[smem:$0x3FA7] =	sst s0  }
0x9: {  	[smem:$0x3FA8] =	sst s1  }
0xa: {  	[smem:$0x3FA9] =	sst s2  }
0xb: {  	[smem:$0x3FAA] =	sst s3  }
0xc: {  	[smem:$0x3FAB] =	sst s4  }
0xd: {  	[smem:$0x3FAC] =	sst s5  }
0xe: {  	[smem:$0x3FAD] =	sst s6  }
0xf: {  	[smem:$0x3FAE] =	sst s7  }
0x10: {  	[smem:$0x3FAF] =	sst s8  }
0x11: {  	[smem:$0x3FB0] =	sst s9;
	s0 =	simm.s32 @!p0 $0x0  }
0x12: {  	s1 =	sld [smem:$0x3F96];
	s0 =	simm.s32 @p0 $0x1  }
0x13: {  	[smem:$0x3FB1] =	sst s0;
	s0 =	simm.s32 @!p1 $0x0  }
0x14: {  	s2 =	sld [smem:$0x3F95];
	s0 =	simm.s32 @p1 $0x1  }
0x15: {  	[smem:$0x3FB2] =	sst s0;
	s0 =	simm.s32 @!p2 $0x0  }
0x16: {  	s3 =	sld [smem:$0x3FDB];
	s0 =	simm.s32 @p2 $0x1  }
0x17: {  	s4 =	simm.s32 $0x1BF5;
	[smem:$0x3FB4] =	sst s0  }
0x18: {  	s0 =	sld [smem:$0x3F97];
	_ =	swait.ge [sflag:s4], $0x0  }
0x19: {  	s7 =	sld [smem:$0x3F98]  }
0x1a: {  	s8 =	sadd.s32 $0xFFFFE003, lr  }
0x1b: {  	s9 =	sadd.s32 $0xFFFFFEF7, lr;
	s5 =	simm.s32 $0xFFFFFFFF;
	p2 =	slt.u32 s8, $0xFFFFF086  }
0x1c: {  	p1 =	slt.u32 s9, $0xF7A;
	s5 =	simm.s32 @!p2 $0x0  }
0x1d: {  	s5 =	simm.s32 @p1 $0x1;
	p0 =	seq.s32 s7, s2  }
0x1e: {  	s7 =	smul.u32 @!p0 $0xF7A, s2;
	p2 =	seq.s32 @!p0 s5, $0x0  }
0x1f: {  	s9 =	smul.u32 $0xF7A, s1;
	s8 =	simm.s32 @!p0 $0x1BF5;
	p2 =	por !p2, p0  }
0x20: {  	[sflag:s8] =	ssyncset.s32 @!p0 $0xFFFFF086;
	s6 =	sadd.s32 @!p0 s3, s7;
	s7 =	simm.s32 @!p0 $0x108  }
0x21: {  	s3 =	sadd.s32 s3, s9;
	s6 =	sadd.s32 @!p0 $0x88, s6;
	s7 =	simm.s32 @p2 $0x1082  }
0x22: {  	[simem:s7], [sflag:s8] =	dma.local @!p0 [hbm:s6], $0xF7A  }
0x23: {  	s9 =	sor.u32 $0xD0000000, s2;
	s6 =	simm.s32 $0x108;
	_ =	swait.ge @!p0 [sflag:s8], $0x0  }
0x24: {  	s3 =	sadd.s32 $0x88, s3;
	s6 =	simm.s32 @!p1 $0x1082;
	[sflag:s4] =	ssyncset.s32 $0xFFFFF086  }
0x25: {  	[simem:s6], [sflag:s4] =	dma.local [hbm:s3], $0xF7A  }
0x26: {  	[smem:$0x3F98] =	sst s1;
	(tag) =	ssettag s2;
	_ =	strace s9  }
0x27: {  	s1 =	sld [smem:$0x3FA8]  }
0x28: {  	s2 =	sld [smem:$0x3FA9]  }
0x29: {  	s4 =	sld [smem:$0x3FAB]  }
0x2a: {  	p0 =	seq.s32 s5, $0x0;
	s5 =	sld [smem:$0x3FAC]  }
0x2b: {  	s6 =	sld [smem:$0x3FAD]  }
0x2c: {  	s7 =	sld [smem:$0x3FAE]  }
0x2d: {  	s3 =	simm.s32 $0x108;
	s8 =	sld [smem:$0x3FAF]  }
0x2e: {  	s3 =	simm.s32 @!p0 $0x1082;
	s9 =	sld [smem:$0x3FB0]  }
0x2f: {  	lr =	sadd.s32 s0, s3;
	s0 =	sld [smem:$0x3FA7]  }
0x30: {  	s3 =	sld [smem:$0x3FAA]  }
0x31: {  	[smem:$0x3FB3] =	sst s10  }
0x32: {  	s10 =	sld [smem:$0x3FB1];
	_ =	sdelay $0x3  }
0x33: {  	p0 =	seq.s32 s10, $0x1;
	s10 =	sld [smem:$0x3FB3];
	_ =	sdelay $0x3  }
0x34: {  	[smem:$0x3FB3] =	sst s10  }
0x35: {  	s10 =	sld [smem:$0x3FB2];
	_ =	sdelay $0x3  }
0x36: {  	p1 =	seq.s32 s10, $0x1;
	s10 =	sld [smem:$0x3FB3];
	_ =	sdelay $0x3  }
0x37: {  	[smem:$0x3FB3] =	sst s10  }
0x38: {  	s10 =	sld [smem:$0x3FB4]  }
0x39: {  	_ = 	snop;
	(pc) =	sbr.ind lr, $3  }
0x3a: {  	_ = 	snop  }
0x3b: {  	_ = 	snop  }
0x3c: {  	p2 =	seq.s32 s10, $0x1;
	s10 =	sld [smem:$0x3FB3]  }
0x3d: {  	_ =	shalt  }
0x3e: {  	_ =	shalt  }
0x3f: {  	_ =	shalt  }
0x40: {  	_ =	shalt  }
0x41: {  	_ =	shalt  }
0x42: {  	_ =	shalt  }
0x43: {  	_ =	shalt  }
0x44: {  	_ =	shalt  }
0x45: {  	_ =	shalt  }
0x46: {  	_ =	shalt  }
0x47: {  	_ =	shalt  }
0x48: {  	_ =	shalt  }
0x49: {  	_ =	shalt  }
0x4a: {  	_ =	shalt  }
0x4b: {  	_ =	shalt  }
0x4c: {  	_ =	shalt  }
0x4d: {  	_ =	shalt  }
0x4e: {  	_ =	shalt  }
0x4f: {  	_ =	shalt  }
0x50: {  	_ =	shalt  }
0x51: {  	_ =	shalt  }
0x52: {  	_ =	shalt  }
0x53: {  	_ =	shalt  }
0x54: {  	_ =	shalt  }
0x55: {  	_ =	shalt  }
0x56: {  	_ =	shalt  }
0x57: {  	_ =	shalt  }
0x58: {  	_ =	shalt  }
0x59: {  	_ =	shalt  }
0x5a: {  	_ =	shalt  }
0x5b: {  	_ =	shalt  }
0x5c: {  	_ =	shalt  }
0x5d: {  	_ =	shalt  }
0x5e: {  	_ =	shalt  }
0x5f: {  	_ =	shalt  }
0x60: {  	_ =	shalt  }
0x61: {  	_ =	shalt  }
0x62: {  	_ =	shalt  }
0x63: {  	_ =	shalt  }
0x64: {  	_ =	shalt  }
0x65: {  	_ =	shalt  }
0x66: {  	_ =	shalt  }
0x67: {  	_ =	shalt  }
0x68: {  	_ =	shalt  }
0x69: {  	_ =	shalt  }
0x6a: {  	_ =	shalt  }
0x6b: {  	_ =	shalt  }
0x6c: {  	_ =	shalt  }
0x6d: {  	_ =	shalt  }
0x6e: {  	_ =	shalt  }
0x6f: {  	_ =	shalt  }
0x70: {  	_ =	shalt  }
0x71: {  	_ =	shalt  }
0x72: {  	_ =	shalt  }
0x73: {  	_ =	shalt  }
0x74: {  	_ =	shalt  }
0x75: {  	_ =	shalt  }
0x76: {  	_ =	shalt  }
0x77: {  	_ =	shalt  }
0x78: {  	_ =	shalt  }
0x79: {  	_ =	shalt  }
0x7a: {  	_ =	shalt  }
0x7b: {  	_ =	shalt  }
0x7c: {  	_ =	shalt  }
0x7d: {  	_ =	shalt  }
0x7e: {  	_ =	shalt  }
0x7f: {  	_ =	shalt  }
0x80: {  	_ =	shalt  }
0x81: {  	_ =	shalt  }
0x82: {  	_ =	shalt  }
0x83: {  	_ =	shalt  }
0x84: {  	_ =	shalt  }
0x85: {  	_ =	shalt  }
0x86: {  	_ =	shalt  }
0x87: {  	_ =	shalt  }
.Lfunc_end0:
.L_simem_size_0:
called_computation_lowered:
.L_overlay_start_0:
0x88: {  	s0 =	sld [smem:$0x3FD9]  }
0x89: {  	s1 =	sld [smem:$0x3FFE];
	_ =	sdelay $0x3  }
0x8a: {  	s0 =	sadd.s32 s1, s0  }
0x8b: {  	[smem:$0x3FBF] =	sst s0  }
0x8c: {  	_ = 	snop  }
0x8d: {  	s0 =	sld [smem:$0x3FC7]  }
0x8e: {  	s16 =	sld [smem:$0x3FC6]  }
0x8f: {  	s2 =	sld [smem:$0x3FC5];
	(tm) =	ssettm $0x1  }
0x90: {  	s3 =	sld [smem:$0x3FFB];
	_ =	sdelay $0x3  }
0x91: {  	_ =	strace s3  }
0x92: {  	s3 =	sld [smem:$0x3FFC];
	_ =	sdelay $0x3  }
0x93: {  	_ =	strace s3  }
0x94: {  	s3 =	sld [smem:$0x3FFD];
	_ =	sdelay $0x3  }
0x95: {  	_ =	strace s3  }
0x96: {  	_ =	strace $0x8FFFFFFF  }
0x97: {  	s17 =	sld [smem:$0x3FDB];
	_ =	sdelay $0x1  }
0x98: {  	s4 =	simm.s32 $_scs_section_size  }
0x99: {  	s5 =	simm.s32 $_size__tile_overlayer_lowered;
	s6 =	simm.s32 $_tile_overlayer_lowered  }
0x9a: {  	s20 =	simm.s32 $0x1BFF;
	s19 =	sshll.u32 s6, $0x1;
	s3 =	sadd.s32 s4, s17  }
0x9b: {  	s7 =	simm.s32 $0x0;
	s18 =	sshll.u32 s5, $0x1;
	s5 =	sadd.s32 s19, s3  }
0x9c: {  	[timem:s7], [sflag:s20] =	dma.local [hbm:s5], s18  }
0x9d: {  	_ =	swait.ge [sflag:s20], s18  }
0x9e: {  	s4 =	ssub.s32 $0x0, s18;
	[sflag:s20] =	ssyncset.done $0x0  }
0x9f: {  	[sflag:s20] =	ssyncadd.s32 s4;
	_ =	sdelay $0x1  }
0xa0: {  	s21 =	simm.s32 $0x1B8B  }
0xa1: {  	_ =	swait.ge [sflag:s21], $0x1  }
0xa2: {  	[sflag:s21] =	ssyncset.done $0x0  }
0xa3: {  	s23 =	simm.s32 $0x1B8E;
	s22 =	sld [smem:$0x3FFE];
	[sflag:s21] =	ssyncadd.s32 $0xFFFFFFFF  }
0xa4: {  	s24 =	simm.s32 $execute0_lowered;
	[smem:$0x3FD2] =	sst s23  }
0xa5: {  	s5 =	sshll.u32 s24, $0x1;
	_ =	strace $0x80000046;
	[dreg:$0x1] =	wrdreg $0xFFFFFFFF  }
0xa6: {  	s25 =	simm.s32 $_size_execute0_lowered;
	s3 =	sadd.s32 s3, s5;
	[dreg:$0x0] =	wrdreg $0x0  }
0xa7: {  	s5 =	sshll.u32 s25, $0x1;
	[dreg:$0x2] =	wrdreg s3  }
0xa8: {  	[dreg:$0x3] =	wrdreg s5  }
0xa9: {  	[dreg:$0x4] =	wrdreg $0xC0  }
0xaa: {  	_ =	task [dreg:s7], $0x5FFFF  }
0xab: {  	[dreg:$0x1] =	wrdreg $0xFFFFFFFF  }
0xac: {  	[dreg:$0x0] =	wrdreg $0x60  }
0xad: {  	[dreg:$0x2] =	wrdreg s16  }
0xae: {  	[dreg:$0x3] =	wrdreg s2  }
0xaf: {  	[dreg:$0x4] =	wrdreg s0  }
0xb0: {  	[dreg:$0x5] =	wrdreg s22  }
0xb1: {  	[dreg:$0x6] =	wrdreg $0x9  }
0xb2: {  	_ =	task.clear_ibuf [dreg:s7], $0x7FFFF;
	_ =	strace $0x90000046  }
0xb3: {  	s26 =	simm.s32 $0x9;
	_ =	strace $0x80000048  }
0xb4: {  	_ =	swait.ge [sflag:s26], $0x1  }
0xb5: {  	[sflag:s26] =	ssyncadd.s32 $0xFFFFFFFF  }
0xb6: {  	_ =	strace $0x90000048  }
0xb7: {  	_ =	sfence  }
0xb8: {  	s28 =	sld [smem:$0x0];
	_ =	sdelay $0x1  }
0xb9: {  	s29 =	srdreg.scid  }
0xba: {  	s30 =	sshll.u32 s29, $0xD;
	s31 =	sshrl.u32 s29, $0x2  }
0xbb: {  	s1 =	sand.u32 $0x1, s29;
	s2 =	sand.u32 $0x4000, s30;
	s0 =	sadd.s32 s31, s28  }
0xbc: {  	s1 =	sor.u32 s2, s1;
	s0 =	sshll.u32 s0, $0x11  }
0xbd: {  	s0 =	sor.u32 s0, s1  }
0xbe: {  	s0 =	sadd.s32 $0x8F2B, s0  }
0xbf: {  	[sflag:s0] =	ssyncadd.remote.s32 $0x1  }
0xc0: {  	_ =	sfence.sel $0xFFFF  }
0xc1: {  	[dreg:$0x0] =	wrdreg $0xFFFFFFFF;
	(pc) =	sbr.abs _section_cstart, $3  }
0xc2: {  	[dreg:$0x1] =	wrdreg $0xFFFFFFFF  }
0xc3: {  	_ =	task.clear_ibuf [dreg:s7], $0x2FFFF;
	_ =	strace $0x9FFFFFFF  }
0xc4: {  	(tm) =	ssettm $0x7FFFFFFF  }
0xc5: {  	_ =	shalt  }
tec
execute0_lowered:
.L_overlay_start_1:
0x0: {  	(tag) =	ssettag $0x1  }
0x1: {  	s2 =	rddreg [dreg:$0x0]  }
0x2: {  	s3 =	rddreg [dreg:$0x1]  }
0x3: {  	s4 =	rddreg [dreg:$0x2]  }
0x4: {  	s5 =	rddreg [dreg:$0x3]  }
0x5: {  	s0 =	rddreg [dreg:$0x4];
	s6 =	simm.s32 $0x0;
	s1 =	stileid.u32  }
0x6: {  	[smem:$0x7FF] =	sst s6;
	s7 =	sshll.u32 s1, $0x3  }
0x7: {  	s21 =	simm.s32 $0x3;
	_ =	strace $0x80000047;
	s4 =	sadd.s32 s4, s7  }
0x8: {  	[tilespmem:s6], [sflag:$0x3] =	stream.linear.gather [hbm4b:s4+s6], $0x40, $0x38;
	[tilespmem:$0x4100] =	vst v63  }
0x9: {  	_ =	swait.ge [sflag:s21], $0x40  }
0xa: {  	[sflag:s21] =	ssyncset.done $0x0  }
0xb: {  	[sflag:s21] =	ssyncadd.s32 $0xFFFFFFC0  }
0xc: {  	v0 =	vld [tilespmem:$0x0]  }
0xd: {  	v1 =	vld [tilespmem:$0x10]  }
0xe: {  	v2 =	vld [tilespmem:$0x20]  }
0xf: {  	v3 =	vld [tilespmem:$0x30];
	_ =	sdelay $0x1  }
0x10: {  	s22 =	sshll.u32 s1, $0x6;
	v0 =	vshll.u32 v0, $0xA  }
0x11: {  	v4 =	vlaneseq.u32;
	s23 =	sor.u32 $0x10, s22;
	v1 =	vshll.u32 v1, $0xA;
	v0 =	vor.u32 s22, v0  }
0x12: {  	s24 =	sor.u32 $0x20, s22;
	v2 =	vshll.u32 v2, $0xA;
	v1 =	vor.u32 s23, v1;
	v0 =	vor.u32 v4, v0  }
0x13: {  	s4 =	sor.u32 $0x30, s22;
	v60 =	vshll.u32 v3, $0xA;
	v59 =	vor.u32 s24, v2;
	v58 =	vor.u32 v4, v1;
	[tilespmem:$0x80] =	vst v0  }
0x14: {  	v62 =	vor.u32 s4, v60;
	v61 =	vor.u32 v4, v59;
	[tilespmem:$0x90] =	vst v58  }
0x15: {  	v63 =	vor.u32 v4, v62;
	[tilespmem:$0xA0] =	vst v61  }
0x16: {  	s25 =	simm.s32 $0x40;
	s26 =	simm.s32 $0x80;
	s8 =	simm.s32 $0x100;
	[tilespmem:$0xB0] =	vst v63  }
0x17: {  	[tilespmem:s8], [sflag:$0x1] =	stream.indirect.gather [hbm4b:s2+s25], $0x80, s26, s25, $0xb8;
	[tilespmem:$0x4100] =	vst v63  }
0x18: {  	s28 =	simm.s32 $0x2100;
	s29 =	simm.s32 $0x1  }
0x19: {  	[tilespmem:s28], [sflag:$0x2] =	stream.indirect.gather [hbm4b:s3+s25], $0x80, s26, s25, $0xb8;
	[tilespmem:$0x4100] =	vst v63  }
0x1a: {  	s30 =	sshll.u32 s1, $0xA;
	_ =	swait.ge [sflag:s29], $0x2000  }
0x1b: {  	s4 =	sadd.s32 s30, s5;
	[sflag:s29] =	ssyncset.done $0x0  }
0x1c: {  	s31 =	simm.s32 $0x2;
	s5 =	sadd.s32 $0x1200, s4;
	[sflag:s29] =	ssyncadd.s32 $0xFFFFE000  }
0x1d: {  	[hbm4b:s5+s6] =	stream.linear.scatter [tilespmem:s8], [sflag:$0x1], $0x2000, $0x38;
	[tilespmem:$0x4100] =	vst v63  }
0x1e: {  	_ =	swait.ge [sflag:s31], $0x2000  }
0x1f: {  	[sflag:s31] =	ssyncset.done $0x0  }
0x20: {  	s4 =	sadd.s32 $0x5200, s4;
	[sflag:s31] =	ssyncadd.s32 $0xFFFFE000  }
0x21: {  	[hbm4b:s4+s6] =	stream.linear.scatter [tilespmem:s28], [sflag:$0x2], $0x2000, $0x38;
	[tilespmem:$0x4100] =	vst v63  }
0x22: {  	_ =	swait.ge [sflag:s29], $0x2000  }
0x23: {  	[sflag:s29] =	ssyncset.done $0x0  }
0x24: {  	[sflag:s29] =	ssyncadd.s32 $0xFFFFE000  }
0x25: {  	_ =	swait.ge [sflag:s31], $0x2000  }
0x26: {  	[sflag:s31] =	ssyncset.done $0x0  }
0x27: {  	[sflag:s31] =	ssyncadd.s32 $0xFFFFE000  }
0x28: {  	_ =	sfence.sel $0x180000  }
0x29: {  	[bflag:$0x0] =	sbarrier.arrive $0xFFFF  }
0x2a: {  	p0 =	sne.s32 s1, $0x0;
	_ =	strace $0x90000047  }
0x2b: {  	s0 =	sadd.s32 @!p0 $0x100000, s0;
	[bflag:$0x2] =	sbarrier.arrive $0xFFFF  }
0x2c: {  	[sflag:s0] =	ssyncadd.tile.s32 @!p0 $0x1;
	_ =	shalt  }
.Lfunc_end2:
_tile_overlayer_lowered:
.L_overlay_start_2:
0x2d: {  	(tag) =	ssettag $0x2  }
0x2e: {  	s0 =	rddreg [dreg:$0x0];
	s2 =	stileid.u32  }
0x2f: {  	s1 =	rddreg [dreg:$0x1];
	p0 =	sne.s32 s2, $0x0  }
0x30: {  	s3 =	rddreg [dreg:$0x2];
	[bflag:$0x3] =	sbarrier.arrive $0xFFFF;
	s2 =	simm.s32 @!p0 $0x1C03  }
0x31: {  	[timem:s3], [sflag:s2] =	dma.local @!p0 [hbm:s0], s1  }
0x32: {  	s0 =	simm.s32 @!p0 $0x3  }
0x33: {  	_ =	swait.ge @!p0 [sflag:s0], s1  }
0x34: {  	s1 =	ssub.s32 @!p0 $0x0, s1;
	[sflag:s0] =	ssyncset.done @!p0 $0x0  }
0x35: {  	[sflag:s0] =	ssyncadd.s32 @!p0 s1  }
0x36: {  	[bflag:$0x3] =	sbarrier.arrive $0xFFFF  }
0x37: {  	_ =	shalt  }

</sc_bundles>
